<compile_context>
chip_gen: v7x
topology: tpu7x:2x2x1
jax: 0.10.2.dev20260603
libtpu: 0.0.44.dev20260713+nightly
codegen_flags: <defaults>
</compile_context>

<pallas_src>
import jax
import jax.numpy as jnp
from jax import lax
from jax.experimental import pallas as pl
from jax.experimental.pallas import tpu as pltpu
from jax.experimental.pallas import tpu_sc as plsc

BATCH = 16384
Z_DIM = 64
_NUM_CORES = 2
_NUM_SUBCORES = 16
_NW = _NUM_CORES * _NUM_SUBCORES
_BPW = BATCH // _NW
_H = _BPW // 2


def _lookup_body(u_hbm, packed_hbm, out_mean, out_logvar,
                 idx_v, rows_v, gsem, wsem):
  wid = lax.axis_index("s") * _NUM_CORES + lax.axis_index("c")
  base = wid * _BPW
  pltpu.sync_copy(u_hbm.at[pl.ds(base, _BPW)], idx_v)

  cps = [pltpu.async_copy(packed_hbm.at[idx_v.at[pl.ds(h * _H, _H)]],
                          rows_v.at[pl.ds(h * _H, _H)], gsem)
         for h in range(2)]
  for h in range(2):
    cps[h].wait()
    sl = pl.ds(h * _H, _H)
    out_sl = pl.ds(base + h * _H, _H)
    pltpu.async_copy(rows_v.at[sl, pl.ds(0, Z_DIM)], out_mean.at[out_sl], wsem)
    pltpu.async_copy(rows_v.at[sl, pl.ds(Z_DIM, Z_DIM)],
                     out_logvar.at[out_sl], wsem)
  for h in range(2):
    sl = pl.ds(h * _H, _H)
    out_sl = pl.ds(base + h * _H, _H)
    pltpu.make_async_copy(rows_v.at[sl, pl.ds(0, Z_DIM)],
                          out_mean.at[out_sl], wsem).wait()
    pltpu.make_async_copy(rows_v.at[sl, pl.ds(Z_DIM, Z_DIM)],
                          out_logvar.at[out_sl], wsem).wait()


@jax.jit
def kernel(u, mean_table, logvar_table):
  mesh = plsc.VectorSubcoreMesh(core_axis_name="c", subcore_axis_name="s")
  out = jax.ShapeDtypeStruct((BATCH, Z_DIM), jnp.float32)
  packed = jnp.concatenate([mean_table, logvar_table], axis=1)
  run = pl.kernel(
      _lookup_body,
      out_type=(out, out),
      mesh=mesh,
      scratch_types=[
          pltpu.VMEM((_BPW,), jnp.int32),
          pltpu.VMEM((_BPW, 2 * Z_DIM), jnp.float32),
          pltpu.SemaphoreType.DMA,
          pltpu.SemaphoreType.DMA,
      ],
      compiler_params=pltpu.CompilerParams(use_tc_tiling_on_sc=False),
  )
  return run(u.astype(jnp.int32), packed)

# --- scband reference (transcript-rebuilt; emitter-appended) ---
"""Pipeline reference for scband-zprior-discrete-73839077753186 (READ-ONLY COPY).

The authoritative reference and input builder live on the scoring server;
editing this copy changes nothing except your own understanding.
"""

import jax, jax.numpy as jnp
import numpy as np

U_DIM = 100000
Z_DIM = 64
BATCH = 16384

def setup_inputs(seed: int = 0) -> dict:
    key = jax.random.key(seed)
    k_u, k_mean, k_logvar = jax.random.split(key, 3)
    u = jax.random.randint(k_u, (BATCH,), 0, U_DIM, dtype=jnp.int64 if jax.config.jax_enable_x64 else jnp.int32)
    # Embedding tables initialized like nn.Embedding (standard normal)
    mean_table = jax.random.normal(k_mean, (U_DIM, Z_DIM), dtype=jnp.float32)
    logvar_table = jax.random.normal(k_logvar, (U_DIM, Z_DIM), dtype=jnp.float32)
    return {"u": u, "mean_table": mean_table, "logvar_table": logvar_table}

def reference(u, mean_table, logvar_table):
    # ZPriorDiscrete.forward: two embedding lookups
    mean = jnp.take(mean_table, u, axis=0)
    log_variance = jnp.take(logvar_table, u, axis=0)
    return (mean, log_variance)

if __name__ == "__main__":
    import jax
    _d = setup_inputs()
    print(jax.jit(kernel)(*tuple(_d.values())))

</pallas_src>

<mosaic_0001>
#map = affine_map<(d0, d1) -> (0)>
#map1 = affine_map<(d0, d1) -> (0, 0)>
module attributes {stable_mosaic.version = 14 : i64} {
  func.func @_lookup_body(%arg0: i32, %arg1: i32, %arg2: memref<16384xi32, #tpu.memory_space<hbm>>, %arg3: memref<100000x128xf32, #tpu.memory_space<hbm>>, %arg4: memref<16384x64xf32, #tpu.memory_space<hbm>>, %arg5: memref<16384x64xf32, #tpu.memory_space<hbm>>, %arg6: memref<512xi32, #tpu.memory_space<vmem>>, %arg7: memref<512x128xf32, #tpu.memory_space<vmem>>, %arg8: memref<!tpu.dma_semaphore, #tpu.memory_space<semaphore_mem>>, %arg9: memref<!tpu.dma_semaphore, #tpu.memory_space<semaphore_mem>>) attributes {dimension_semantics = [#tpu.dimension_semantics<core_parallel>, #tpu.dimension_semantics<subcore_parallel>], iteration_bounds = array<i64: 2, 16>, scalar_prefetch = 0 : i64, scratch_operands = 4 : i64, tpu.core_type = #tpu.core_type<sc_vector_subcore>, window_params = [{transform_indices = #map}, {transform_indices = #map1}, {transform_indices = #map1}, {transform_indices = #map1}]} {
    %mul3A = arith.constant 2 : i32
    %mul3A_0 = arith.muli %arg1, %mul3A : i32
    %add3A = arith.addi %mul3A_0, %arg0 : i32
    %mul3A_1 = arith.constant 512 : i32
    %mul3A_2 = arith.muli %add3A, %mul3A_1 : i32
    "tpu.region"() ({
      %run_scoped3A = tpu.sem_alloc : memref<!tpu.dma_semaphore, #tpu.memory_space<semaphore_mem>>
      %dma_start3A_121 = tpu.memref_slice %arg2[%mul3A_2] : memref<16384xi32, #tpu.memory_space<hbm>> -> memref<512xi32, #tpu.memory_space<hbm>>
      %dma_start3A_122 = tpu.memref_slice %arg2[%mul3A_2] : memref<16384xi32, #tpu.memory_space<hbm>> -> memref<512xi32, #tpu.memory_space<hbm>>
      tpu.enqueue_dma source(%dma_start3A_122 : memref<512xi32, #tpu.memory_space<hbm>>) target(%arg6 : memref<512xi32, #tpu.memory_space<vmem>>) target_semaphore(%run_scoped3A : memref<!tpu.dma_semaphore, #tpu.memory_space<semaphore_mem>>)
      %dma_wait3A_123 = tpu.memref_slice %arg2[%mul3A_2] : memref<16384xi32, #tpu.memory_space<hbm>> -> memref<512xi32, #tpu.memory_space<hbm>>
      %dma_wait3A_124 = tpu.memref_slice %arg2[%mul3A_2] : memref<16384xi32, #tpu.memory_space<hbm>> -> memref<512xi32, #tpu.memory_space<hbm>>
      tpu.wait_dma2 semaphore(%run_scoped3A : memref<!tpu.dma_semaphore, #tpu.memory_space<semaphore_mem>>) src(%dma_wait3A_124 : memref<512xi32, #tpu.memory_space<hbm>>) dst(%arg6 : memref<512xi32, #tpu.memory_space<vmem>>)
      tpu.yield
    }) : () -> ()
    %dma_start3A = arith.constant 0 : i32
    %dma_start3A_3 = arith.constant 0 : i32
    %dma_start3A_4 = tpu.memref_slice %arg7[%dma_start3A, %dma_start3A_3] : memref<512x128xf32, #tpu.memory_space<vmem>> -> memref<256x128xf32, #tpu.memory_space<vmem>>
    %dma_start3A_5 = arith.constant 0 : i32
    %dma_start3A_6 = tpu.memref_slice %arg6[%dma_start3A_5] : memref<512xi32, #tpu.memory_space<vmem>> -> memref<256xi32, #tpu.memory_space<vmem>>
    %dma_start3A_7 = arith.constant 0 : i32
    %dma_start3A_8 = arith.constant 0 : i32
    %dma_start3A_9 = tpu.memref_slice %arg3[%dma_start3A_7, %dma_start3A_8] : memref<100000x128xf32, #tpu.memory_space<hbm>> -> memref<100000x128xf32, #tpu.memory_space<hbm>>
    tpu.enqueue_indirect_dma source(%dma_start3A_9 : memref<100000x128xf32, #tpu.memory_space<hbm>>) target(%dma_start3A_4 : memref<256x128xf32, #tpu.memory_space<vmem>>) offsets(%dma_start3A_6 : memref<256xi32, #tpu.memory_space<vmem>>) semaphore(%arg8 : memref<!tpu.dma_semaphore, #tpu.memory_space<semaphore_mem>>)
    %dma_start3A_10 = arith.constant 256 : i32
    %dma_start3A_11 = arith.constant 0 : i32
    %dma_start3A_12 = tpu.memref_slice %arg7[%dma_start3A_10, %dma_start3A_11] : memref<512x128xf32, #tpu.memory_space<vmem>> -> memref<256x128xf32, #tpu.memory_space<vmem>>
    %dma_start3A_13 = arith.constant 256 : i32
    %dma_start3A_14 = tpu.memref_slice %arg6[%dma_start3A_13] : memref<512xi32, #tpu.memory_space<vmem>> -> memref<256xi32, #tpu.memory_space<vmem>>
    %dma_start3A_15 = arith.constant 0 : i32
    %dma_start3A_16 = arith.constant 0 : i32
    %dma_start3A_17 = tpu.memref_slice %arg3[%dma_start3A_15, %dma_start3A_16] : memref<100000x128xf32, #tpu.memory_space<hbm>> -> memref<100000x128xf32, #tpu.memory_space<hbm>>
    tpu.enqueue_indirect_dma source(%dma_start3A_17 : memref<100000x128xf32, #tpu.memory_space<hbm>>) target(%dma_start3A_12 : memref<256x128xf32, #tpu.memory_space<vmem>>) offsets(%dma_start3A_14 : memref<256xi32, #tpu.memory_space<vmem>>) semaphore(%arg8 : memref<!tpu.dma_semaphore, #tpu.memory_space<semaphore_mem>>)
    %dma_wait3A = arith.constant 0 : i32
    %dma_wait3A_18 = arith.constant 0 : i32
    %dma_wait3A_19 = tpu.memref_slice %arg7[%dma_wait3A, %dma_wait3A_18] : memref<512x128xf32, #tpu.memory_space<vmem>> -> memref<256x128xf32, #tpu.memory_space<vmem>>
    %dma_wait3A_20 = arith.constant 0 : i32
    %dma_wait3A_21 = tpu.memref_slice %arg6[%dma_wait3A_20] : memref<512xi32, #tpu.memory_space<vmem>> -> memref<256xi32, #tpu.memory_space<vmem>>
    %dma_wait3A_22 = arith.constant 0 : i32
    %dma_wait3A_23 = arith.constant 0 : i32
    %dma_wait3A_24 = tpu.memref_slice %arg3[%dma_wait3A_22, %dma_wait3A_23] : memref<100000x128xf32, #tpu.memory_space<hbm>> -> memref<100000x128xf32, #tpu.memory_space<hbm>>
    tpu.wait_indirect_dma semaphore(%arg8 : memref<!tpu.dma_semaphore, #tpu.memory_space<semaphore_mem>>) src(%dma_wait3A_24 : memref<100000x128xf32, #tpu.memory_space<hbm>>) dst(%dma_wait3A_19 : memref<256x128xf32, #tpu.memory_space<vmem>>)
    %add3A_25 = arith.constant 0 : i32
    %add3A_26 = arith.addi %mul3A_2, %add3A_25 : i32
    %dma_start3A_27 = arith.constant 0 : i32
    %dma_start3A_28 = arith.constant 0 : i32
    %dma_start3A_29 = tpu.memref_slice %arg7[%dma_start3A_27, %dma_start3A_28] : memref<512x128xf32, #tpu.memory_space<vmem>> -> memref<256x64xf32, #tpu.memory_space<vmem>>
    %dma_start3A_30 = arith.constant 0 : i32
    %dma_start3A_31 = tpu.memref_slice %arg4[%add3A_26, %dma_start3A_30] : memref<16384x64xf32, #tpu.memory_space<hbm>> -> memref<256x64xf32, #tpu.memory_space<hbm>>
    %dma_start3A_32 = arith.constant 0 : i32
    %dma_start3A_33 = tpu.memref_slice %arg4[%add3A_26, %dma_start3A_32] : memref<16384x64xf32, #tpu.memory_space<hbm>> -> memref<256x64xf32, #tpu.memory_space<hbm>>
    %dma_start3A_34 = arith.constant 0 : i32
    %dma_start3A_35 = arith.constant 0 : i32
    %dma_start3A_36 = tpu.memref_slice %arg7[%dma_start3A_34, %dma_start3A_35] : memref<512x128xf32, #tpu.memory_space<vmem>> -> memref<256x64xf32, #tpu.memory_space<vmem>>
    tpu.enqueue_dma source(%dma_start3A_36 : memref<256x64xf32, #tpu.memory_space<vmem>>) target(%dma_start3A_33 : memref<256x64xf32, #tpu.memory_space<hbm>>) target_semaphore(%arg9 : memref<!tpu.dma_semaphore, #tpu.memory_space<semaphore_mem>>)
    %dma_start3A_37 = arith.constant 0 : i32
    %dma_start3A_38 = arith.constant 64 : i32
    %dma_start3A_39 = tpu.memref_slice %arg7[%dma_start3A_37, %dma_start3A_38] : memref<512x128xf32, #tpu.memory_space<vmem>> -> memref<256x64xf32, #tpu.memory_space<vmem>>
    %dma_start3A_40 = arith.constant 0 : i32
    %dma_start3A_41 = tpu.memref_slice %arg5[%add3A_26, %dma_start3A_40] : memref<16384x64xf32, #tpu.memory_space<hbm>> -> memref<256x64xf32, #tpu.memory_space<hbm>>
    %dma_start3A_42 = arith.constant 0 : i32
    %dma_start3A_43 = tpu.memref_slice %arg5[%add3A_26, %dma_start3A_42] : memref<16384x64xf32, #tpu.memory_space<hbm>> -> memref<256x64xf32, #tpu.memory_space<hbm>>
    %dma_start3A_44 = arith.constant 0 : i32
    %dma_start3A_45 = arith.constant 64 : i32
    %dma_start3A_46 = tpu.memref_slice %arg7[%dma_start3A_44, %dma_start3A_45] : memref<512x128xf32, #tpu.memory_space<vmem>> -> memref<256x64xf32, #tpu.memory_space<vmem>>
    tpu.enqueue_dma source(%dma_start3A_46 : memref<256x64xf32, #tpu.memory_space<vmem>>) target(%dma_start3A_43 : memref<256x64xf32, #tpu.memory_space<hbm>>) target_semaphore(%arg9 : memref<!tpu.dma_semaphore, #tpu.memory_space<semaphore_mem>>)
    %dma_wait3A_47 = arith.constant 256 : i32
    %dma_wait3A_48 = arith.constant 0 : i32
    %dma_wait3A_49 = tpu.memref_slice %arg7[%dma_wait3A_47, %dma_wait3A_48] : memref<512x128xf32, #tpu.memory_space<vmem>> -> memref<256x128xf32, #tpu.memory_space<vmem>>
    %dma_wait3A_50 = arith.constant 256 : i32
    %dma_wait3A_51 = tpu.memref_slice %arg6[%dma_wait3A_50] : memref<512xi32, #tpu.memory_space<vmem>> -> memref<256xi32, #tpu.memory_space<vmem>>
    %dma_wait3A_52 = arith.constant 0 : i32
    %dma_wait3A_53 = arith.constant 0 : i32
    %dma_wait3A_54 = tpu.memref_slice %arg3[%dma_wait3A_52, %dma_wait3A_53] : memref<100000x128xf32, #tpu.memory_space<hbm>> -> memref<100000x128xf32, #tpu.memory_space<hbm>>
    tpu.wait_indirect_dma semaphore(%arg8 : memref<!tpu.dma_semaphore, #tpu.memory_space<semaphore_mem>>) src(%dma_wait3A_54 : memref<100000x128xf32, #tpu.memory_space<hbm>>) dst(%dma_wait3A_49 : memref<256x128xf32, #tpu.memory_space<vmem>>)
    %add3A_55 = arith.constant 256 : i32
    %add3A_56 = arith.addi %mul3A_2, %add3A_55 : i32
    %dma_start3A_57 = arith.constant 256 : i32
    %dma_start3A_58 = arith.constant 0 : i32
    %dma_start3A_59 = tpu.memref_slice %arg7[%dma_start3A_57, %dma_start3A_58] : memref<512x128xf32, #tpu.memory_space<vmem>> -> memref<256x64xf32, #tpu.memory_space<vmem>>
    %dma_start3A_60 = arith.constant 0 : i32
    %dma_start3A_61 = tpu.memref_slice %arg4[%add3A_56, %dma_start3A_60] : memref<16384x64xf32, #tpu.memory_space<hbm>> -> memref<256x64xf32, #tpu.memory_space<hbm>>
    %dma_start3A_62 = arith.constant 0 : i32
    %dma_start3A_63 = tpu.memref_slice %arg4[%add3A_56, %dma_start3A_62] : memref<16384x64xf32, #tpu.memory_space<hbm>> -> memref<256x64xf32, #tpu.memory_space<hbm>>
    %dma_start3A_64 = arith.constant 256 : i32
    %dma_start3A_65 = arith.constant 0 : i32
    %dma_start3A_66 = tpu.memref_slice %arg7[%dma_start3A_64, %dma_start3A_65] : memref<512x128xf32, #tpu.memory_space<vmem>> -> memref<256x64xf32, #tpu.memory_space<vmem>>
    tpu.enqueue_dma source(%dma_start3A_66 : memref<256x64xf32, #tpu.memory_space<vmem>>) target(%dma_start3A_63 : memref<256x64xf32, #tpu.memory_space<hbm>>) target_semaphore(%arg9 : memref<!tpu.dma_semaphore, #tpu.memory_space<semaphore_mem>>)
    %dma_start3A_67 = arith.constant 256 : i32
    %dma_start3A_68 = arith.constant 64 : i32
    %dma_start3A_69 = tpu.memref_slice %arg7[%dma_start3A_67, %dma_start3A_68] : memref<512x128xf32, #tpu.memory_space<vmem>> -> memref<256x64xf32, #tpu.memory_space<vmem>>
    %dma_start3A_70 = arith.constant 0 : i32
    %dma_start3A_71 = tpu.memref_slice %arg5[%add3A_56, %dma_start3A_70] : memref<16384x64xf32, #tpu.memory_space<hbm>> -> memref<256x64xf32, #tpu.memory_space<hbm>>
    %dma_start3A_72 = arith.constant 0 : i32
    %dma_start3A_73 = tpu.memref_slice %arg5[%add3A_56, %dma_start3A_72] : memref<16384x64xf32, #tpu.memory_space<hbm>> -> memref<256x64xf32, #tpu.memory_space<hbm>>
    %dma_start3A_74 = arith.constant 256 : i32
    %dma_start3A_75 = arith.constant 64 : i32
    %dma_start3A_76 = tpu.memref_slice %arg7[%dma_start3A_74, %dma_start3A_75] : memref<512x128xf32, #tpu.memory_space<vmem>> -> memref<256x64xf32, #tpu.memory_space<vmem>>
    tpu.enqueue_dma source(%dma_start3A_76 : memref<256x64xf32, #tpu.memory_space<vmem>>) target(%dma_start3A_73 : memref<256x64xf32, #tpu.memory_space<hbm>>) target_semaphore(%arg9 : memref<!tpu.dma_semaphore, #tpu.memory_space<semaphore_mem>>)
    %add3A_77 = arith.constant 0 : i32
    %add3A_78 = arith.addi %mul3A_2, %add3A_77 : i32
    %dma_wait3A_79 = arith.constant 0 : i32
    %dma_wait3A_80 = arith.constant 0 : i32
    %dma_wait3A_81 = tpu.memref_slice %arg7[%dma_wait3A_79, %dma_wait3A_80] : memref<512x128xf32, #tpu.memory_space<vmem>> -> memref<256x64xf32, #tpu.memory_space<vmem>>
    %dma_wait3A_82 = arith.constant 0 : i32
    %dma_wait3A_83 = tpu.memref_slice %arg4[%add3A_78, %dma_wait3A_82] : memref<16384x64xf32, #tpu.memory_space<hbm>> -> memref<256x64xf32, #tpu.memory_space<hbm>>
    %dma_wait3A_84 = arith.constant 0 : i32
    %dma_wait3A_85 = tpu.memref_slice %arg4[%add3A_78, %dma_wait3A_84] : memref<16384x64xf32, #tpu.memory_space<hbm>> -> memref<256x64xf32, #tpu.memory_space<hbm>>
    %dma_wait3A_86 = arith.constant 0 : i32
    %dma_wait3A_87 = arith.constant 0 : i32
    %dma_wait3A_88 = tpu.memref_slice %arg7[%dma_wait3A_86, %dma_wait3A_87] : memref<512x128xf32, #tpu.memory_space<vmem>> -> memref<256x64xf32, #tpu.memory_space<vmem>>
    tpu.wait_dma2 semaphore(%arg9 : memref<!tpu.dma_semaphore, #tpu.memory_space<semaphore_mem>>) src(%dma_wait3A_88 : memref<256x64xf32, #tpu.memory_space<vmem>>) dst(%dma_wait3A_85 : memref<256x64xf32, #tpu.memory_space<hbm>>)
    %dma_wait3A_89 = arith.constant 0 : i32
    %dma_wait3A_90 = arith.constant 64 : i32
    %dma_wait3A_91 = tpu.memref_slice %arg7[%dma_wait3A_89, %dma_wait3A_90] : memref<512x128xf32, #tpu.memory_space<vmem>> -> memref<256x64xf32, #tpu.memory_space<vmem>>
    %dma_wait3A_92 = arith.constant 0 : i32
    %dma_wait3A_93 = tpu.memref_slice %arg5[%add3A_78, %dma_wait3A_92] : memref<16384x64xf32, #tpu.memory_space<hbm>> -> memref<256x64xf32, #tpu.memory_space<hbm>>
    %dma_wait3A_94 = arith.constant 0 : i32
    %dma_wait3A_95 = tpu.memref_slice %arg5[%add3A_78, %dma_wait3A_94] : memref<16384x64xf32, #tpu.memory_space<hbm>> -> memref<256x64xf32, #tpu.memory_space<hbm>>
    %dma_wait3A_96 = arith.constant 0 : i32
    %dma_wait3A_97 = arith.constant 64 : i32
    %dma_wait3A_98 = tpu.memref_slice %arg7[%dma_wait3A_96, %dma_wait3A_97] : memref<512x128xf32, #tpu.memory_space<vmem>> -> memref<256x64xf32, #tpu.memory_space<vmem>>
    tpu.wait_dma2 semaphore(%arg9 : memref<!tpu.dma_semaphore, #tpu.memory_space<semaphore_mem>>) src(%dma_wait3A_98 : memref<256x64xf32, #tpu.memory_space<vmem>>) dst(%dma_wait3A_95 : memref<256x64xf32, #tpu.memory_space<hbm>>)
    %add3A_99 = arith.constant 256 : i32
    %add3A_100 = arith.addi %mul3A_2, %add3A_99 : i32
    %dma_wait3A_101 = arith.constant 256 : i32
    %dma_wait3A_102 = arith.constant 0 : i32
    %dma_wait3A_103 = tpu.memref_slice %arg7[%dma_wait3A_101, %dma_wait3A_102] : memref<512x128xf32, #tpu.memory_space<vmem>> -> memref<256x64xf32, #tpu.memory_space<vmem>>
    %dma_wait3A_104 = arith.constant 0 : i32
    %dma_wait3A_105 = tpu.memref_slice %arg4[%add3A_100, %dma_wait3A_104] : memref<16384x64xf32, #tpu.memory_space<hbm>> -> memref<256x64xf32, #tpu.memory_space<hbm>>
    %dma_wait3A_106 = arith.constant 0 : i32
    %dma_wait3A_107 = tpu.memref_slice %arg4[%add3A_100, %dma_wait3A_106] : memref<16384x64xf32, #tpu.memory_space<hbm>> -> memref<256x64xf32, #tpu.memory_space<hbm>>
    %dma_wait3A_108 = arith.constant 256 : i32
    %dma_wait3A_109 = arith.constant 0 : i32
    %dma_wait3A_110 = tpu.memref_slice %arg7[%dma_wait3A_108, %dma_wait3A_109] : memref<512x128xf32, #tpu.memory_space<vmem>> -> memref<256x64xf32, #tpu.memory_space<vmem>>
    tpu.wait_dma2 semaphore(%arg9 : memref<!tpu.dma_semaphore, #tpu.memory_space<semaphore_mem>>) src(%dma_wait3A_110 : memref<256x64xf32, #tpu.memory_space<vmem>>) dst(%dma_wait3A_107 : memref<256x64xf32, #tpu.memory_space<hbm>>)
    %dma_wait3A_111 = arith.constant 256 : i32
    %dma_wait3A_112 = arith.constant 64 : i32
    %dma_wait3A_113 = tpu.memref_slice %arg7[%dma_wait3A_111, %dma_wait3A_112] : memref<512x128xf32, #tpu.memory_space<vmem>> -> memref<256x64xf32, #tpu.memory_space<vmem>>
    %dma_wait3A_114 = arith.constant 0 : i32
    %dma_wait3A_115 = tpu.memref_slice %arg5[%add3A_100, %dma_wait3A_114] : memref<16384x64xf32, #tpu.memory_space<hbm>> -> memref<256x64xf32, #tpu.memory_space<hbm>>
    %dma_wait3A_116 = arith.constant 0 : i32
    %dma_wait3A_117 = tpu.memref_slice %arg5[%add3A_100, %dma_wait3A_116] : memref<16384x64xf32, #tpu.memory_space<hbm>> -> memref<256x64xf32, #tpu.memory_space<hbm>>
    %dma_wait3A_118 = arith.constant 256 : i32
    %dma_wait3A_119 = arith.constant 64 : i32
    %dma_wait3A_120 = tpu.memref_slice %arg7[%dma_wait3A_118, %dma_wait3A_119] : memref<512x128xf32, #tpu.memory_space<vmem>> -> memref<256x64xf32, #tpu.memory_space<vmem>>
    tpu.wait_dma2 semaphore(%arg9 : memref<!tpu.dma_semaphore, #tpu.memory_space<semaphore_mem>>) src(%dma_wait3A_120 : memref<256x64xf32, #tpu.memory_space<vmem>>) dst(%dma_wait3A_117 : memref<256x64xf32, #tpu.memory_space<hbm>>)
    return
  }
}

</mosaic_0001>

<sc_bundles>
// kernel: kernel.3.cloned.1.call-start
scs
__scs_entry_jumppad:
0x0: {  	(pc) =	sbr.rel $0x88, $3  }
0x1: {  	(tag) =	ssettag $0x0;
	lr =	simm.s32 $0x1  }
0x2: {  	[smem:$0x3F9E] =	sst lr;
	_ =	strace $0xD0000000  }
0x3: {  	_ = 	snop  }
0x4: {  	_ = 	snop  }
0x5: {  	_ = 	snop  }
0x6: {  	_ = 	snop  }
0x7: {  	_ = 	snop  }
__scs_overlays_trampoline_lowered:
0x8: {  	[smem:$0x3FAD] =	sst s0  }
0x9: {  	[smem:$0x3FAE] =	sst s1  }
0xa: {  	[smem:$0x3FAF] =	sst s2  }
0xb: {  	[smem:$0x3FB0] =	sst s3  }
0xc: {  	[smem:$0x3FB1] =	sst s4  }
0xd: {  	[smem:$0x3FB2] =	sst s5  }
0xe: {  	[smem:$0x3FB3] =	sst s6  }
0xf: {  	[smem:$0x3FB4] =	sst s7  }
0x10: {  	[smem:$0x3FB5] =	sst s8  }
0x11: {  	[smem:$0x3FB6] =	sst s9;
	s0 =	simm.s32 @!p0 $0x0  }
0x12: {  	s1 =	sld [smem:$0x3F9C];
	s0 =	simm.s32 @p0 $0x1  }
0x13: {  	[smem:$0x3FB7] =	sst s0;
	s0 =	simm.s32 @!p1 $0x0  }
0x14: {  	s2 =	sld [smem:$0x3F9B];
	s0 =	simm.s32 @p1 $0x1  }
0x15: {  	[smem:$0x3FB8] =	sst s0;
	s0 =	simm.s32 @!p2 $0x0  }
0x16: {  	s3 =	sld [smem:$0x3FDB];
	s0 =	simm.s32 @p2 $0x1  }
0x17: {  	s4 =	simm.s32 $0x1BF5;
	[smem:$0x3FBA] =	sst s0  }
0x18: {  	s0 =	sld [smem:$0x3F9D];
	_ =	swait.ge [sflag:s4], $0x0  }
0x19: {  	s7 =	sld [smem:$0x3F9E]  }
0x1a: {  	s8 =	sadd.s32 $0xFFFFE003, lr  }
0x1b: {  	s9 =	sadd.s32 $0xFFFFFEF7, lr;
	s5 =	simm.s32 $0xFFFFFFFF;
	p2 =	slt.u32 s8, $0xFFFFF086  }
0x1c: {  	p1 =	slt.u32 s9, $0xF7A;
	s5 =	simm.s32 @!p2 $0x0  }
0x1d: {  	s5 =	simm.s32 @p1 $0x1;
	p0 =	seq.s32 s7, s2  }
0x1e: {  	s7 =	smul.u32 @!p0 $0xF7A, s2;
	p2 =	seq.s32 @!p0 s5, $0x0  }
0x1f: {  	s9 =	smul.u32 $0xF7A, s1;
	s8 =	simm.s32 @!p0 $0x1BF5;
	p2 =	por !p2, p0  }
0x20: {  	[sflag:s8] =	ssyncset.s32 @!p0 $0xFFFFF086;
	s6 =	sadd.s32 @!p0 s3, s7;
	s7 =	simm.s32 @!p0 $0x108  }
0x21: {  	s3 =	sadd.s32 s3, s9;
	s6 =	sadd.s32 @!p0 $0x88, s6;
	s7 =	simm.s32 @p2 $0x1082  }
0x22: {  	[simem:s7], [sflag:s8] =	dma.local @!p0 [hbm:s6], $0xF7A  }
0x23: {  	s9 =	sor.u32 $0xD0000000, s2;
	s6 =	simm.s32 $0x108;
	_ =	swait.ge @!p0 [sflag:s8], $0x0  }
0x24: {  	s3 =	sadd.s32 $0x88, s3;
	s6 =	simm.s32 @!p1 $0x1082;
	[sflag:s4] =	ssyncset.s32 $0xFFFFF086  }
0x25: {  	[simem:s6], [sflag:s4] =	dma.local [hbm:s3], $0xF7A  }
0x26: {  	[smem:$0x3F9E] =	sst s1;
	(tag) =	ssettag s2;
	_ =	strace s9  }
0x27: {  	s1 =	sld [smem:$0x3FAE]  }
0x28: {  	s2 =	sld [smem:$0x3FAF]  }
0x29: {  	s4 =	sld [smem:$0x3FB1]  }
0x2a: {  	p0 =	seq.s32 s5, $0x0;
	s5 =	sld [smem:$0x3FB2]  }
0x2b: {  	s6 =	sld [smem:$0x3FB3]  }
0x2c: {  	s7 =	sld [smem:$0x3FB4]  }
0x2d: {  	s3 =	simm.s32 $0x108;
	s8 =	sld [smem:$0x3FB5]  }
0x2e: {  	s3 =	simm.s32 @!p0 $0x1082;
	s9 =	sld [smem:$0x3FB6]  }
0x2f: {  	lr =	sadd.s32 s0, s3;
	s0 =	sld [smem:$0x3FAD]  }
0x30: {  	s3 =	sld [smem:$0x3FB0]  }
0x31: {  	[smem:$0x3FB9] =	sst s10  }
0x32: {  	s10 =	sld [smem:$0x3FB7];
	_ =	sdelay $0x3  }
0x33: {  	p0 =	seq.s32 s10, $0x1;
	s10 =	sld [smem:$0x3FB9];
	_ =	sdelay $0x3  }
0x34: {  	[smem:$0x3FB9] =	sst s10  }
0x35: {  	s10 =	sld [smem:$0x3FB8];
	_ =	sdelay $0x3  }
0x36: {  	p1 =	seq.s32 s10, $0x1;
	s10 =	sld [smem:$0x3FB9];
	_ =	sdelay $0x3  }
0x37: {  	[smem:$0x3FB9] =	sst s10  }
0x38: {  	s10 =	sld [smem:$0x3FBA]  }
0x39: {  	_ = 	snop;
	(pc) =	sbr.ind lr, $3  }
0x3a: {  	_ = 	snop  }
0x3b: {  	_ = 	snop  }
0x3c: {  	p2 =	seq.s32 s10, $0x1;
	s10 =	sld [smem:$0x3FB9]  }
0x3d: {  	_ =	shalt  }
0x3e: {  	_ =	shalt  }
0x3f: {  	_ =	shalt  }
0x40: {  	_ =	shalt  }
0x41: {  	_ =	shalt  }
0x42: {  	_ =	shalt  }
0x43: {  	_ =	shalt  }
0x44: {  	_ =	shalt  }
0x45: {  	_ =	shalt  }
0x46: {  	_ =	shalt  }
0x47: {  	_ =	shalt  }
0x48: {  	_ =	shalt  }
0x49: {  	_ =	shalt  }
0x4a: {  	_ =	shalt  }
0x4b: {  	_ =	shalt  }
0x4c: {  	_ =	shalt  }
0x4d: {  	_ =	shalt  }
0x4e: {  	_ =	shalt  }
0x4f: {  	_ =	shalt  }
0x50: {  	_ =	shalt  }
0x51: {  	_ =	shalt  }
0x52: {  	_ =	shalt  }
0x53: {  	_ =	shalt  }
0x54: {  	_ =	shalt  }
0x55: {  	_ =	shalt  }
0x56: {  	_ =	shalt  }
0x57: {  	_ =	shalt  }
0x58: {  	_ =	shalt  }
0x59: {  	_ =	shalt  }
0x5a: {  	_ =	shalt  }
0x5b: {  	_ =	shalt  }
0x5c: {  	_ =	shalt  }
0x5d: {  	_ =	shalt  }
0x5e: {  	_ =	shalt  }
0x5f: {  	_ =	shalt  }
0x60: {  	_ =	shalt  }
0x61: {  	_ =	shalt  }
0x62: {  	_ =	shalt  }
0x63: {  	_ =	shalt  }
0x64: {  	_ =	shalt  }
0x65: {  	_ =	shalt  }
0x66: {  	_ =	shalt  }
0x67: {  	_ =	shalt  }
0x68: {  	_ =	shalt  }
0x69: {  	_ =	shalt  }
0x6a: {  	_ =	shalt  }
0x6b: {  	_ =	shalt  }
0x6c: {  	_ =	shalt  }
0x6d: {  	_ =	shalt  }
0x6e: {  	_ =	shalt  }
0x6f: {  	_ =	shalt  }
0x70: {  	_ =	shalt  }
0x71: {  	_ =	shalt  }
0x72: {  	_ =	shalt  }
0x73: {  	_ =	shalt  }
0x74: {  	_ =	shalt  }
0x75: {  	_ =	shalt  }
0x76: {  	_ =	shalt  }
0x77: {  	_ =	shalt  }
0x78: {  	_ =	shalt  }
0x79: {  	_ =	shalt  }
0x7a: {  	_ =	shalt  }
0x7b: {  	_ =	shalt  }
0x7c: {  	_ =	shalt  }
0x7d: {  	_ =	shalt  }
0x7e: {  	_ =	shalt  }
0x7f: {  	_ =	shalt  }
0x80: {  	_ =	shalt  }
0x81: {  	_ =	shalt  }
0x82: {  	_ =	shalt  }
0x83: {  	_ =	shalt  }
0x84: {  	_ =	shalt  }
0x85: {  	_ =	shalt  }
0x86: {  	_ =	shalt  }
0x87: {  	_ =	shalt  }
.Lfunc_end0:
.L_simem_size_0:
called_computation_lowered:
.L_overlay_start_0:
0x88: {  	s2 =	sld [smem:$0x3FD9]  }
0x89: {  	s3 =	sld [smem:$0x3FFE];
	_ =	sdelay $0x1  }
0x8a: {  	s1 =	srdreg.scid  }
0x8b: {  	s0 =	sand.u32 $0x1, s1  }
0x8c: {  	s14 =	sshll.u32 s0, $0xA;
	s2 =	sadd.s32 s3, s2  }
0x8d: {  	s2 =	sadd.s32 s2, s14  }
0x8e: {  	[smem:$0x3FC5] =	sst s2  }
0x8f: {  	_ = 	snop  }
0x90: {  	s2 =	sld [smem:$0x3FD0];
	_ =	sdelay $0x2  }
0x91: {  	s4 =	simm.s32 $0xA;
	s5 =	simm.s32 $0x10;
	s15 =	sld [smem:$0x3FC9]  }
0x92: {  	[smem:s5], [sflag:s4] =	dma.local [hbm:s2], $0x1  }
0x93: {  	_ =	swait.eq [sflag:s4], $0x1  }
0x94: {  	[sflag:s4] =	ssyncset.done $0x0  }
0x95: {  	s16 =	sld [smem:$0x10];
	[sflag:s4] =	ssyncadd.s32 $0xFFFFFFFF  }
0x96: {  	s17 =	sld [smem:$0x11];
	(tm) =	ssettm $0x1  }
0x97: {  	s18 =	sld [smem:$0x3FFB];
	_ =	sdelay $0x3  }
0x98: {  	_ =	strace s18  }
0x99: {  	s5 =	sld [smem:$0x3FFC];
	_ =	sdelay $0x3  }
0x9a: {  	_ =	strace s5  }
0x9b: {  	s5 =	sld [smem:$0x3FFD];
	_ =	sdelay $0x3  }
0x9c: {  	_ =	strace s5  }
0x9d: {  	_ =	strace $0x8FFFFFFF  }
0x9e: {  	s19 =	sld [smem:$0x3FDB];
	_ =	sdelay $0x1  }
0x9f: {  	s6 =	simm.s32 $_scs_section_size  }
0xa0: {  	s7 =	simm.s32 $_size__tile_overlayer_lowered;
	s8 =	simm.s32 $_tile_overlayer_lowered  }
0xa1: {  	s22 =	simm.s32 $0x1BFF;
	s21 =	sshll.u32 s8, $0x1;
	s5 =	sadd.s32 s6, s19  }
0xa2: {  	s9 =	simm.s32 $0x0;
	s20 =	sshll.u32 s7, $0x1;
	s7 =	sadd.s32 s21, s5  }
0xa3: {  	[timem:s9], [sflag:s22] =	dma.local [hbm:s7], s20  }
0xa4: {  	_ =	swait.ge [sflag:s22], s20  }
0xa5: {  	s6 =	ssub.s32 $0x0, s20;
	[sflag:s22] =	ssyncset.done $0x0  }
0xa6: {  	[sflag:s22] =	ssyncadd.s32 s6;
	_ =	sdelay $0x1  }
0xa7: {  	s23 =	simm.s32 $0x1B8B  }
0xa8: {  	_ =	swait.ge [sflag:s23], $0x1  }
0xa9: {  	[sflag:s23] =	ssyncset.done $0x0  }
0xaa: {  	s25 =	simm.s32 $0x1B8E;
	s24 =	sld [smem:$0x3FFE];
	[sflag:s23] =	ssyncadd.s32 $0xFFFFFFFF  }
0xab: {  	s26 =	simm.s32 $execute0_lowered;
	[smem:$0x3FD2] =	sst s25  }
0xac: {  	s7 =	sshll.u32 s26, $0x1;
	_ =	strace $0x80000046;
	[dreg:$0x1] =	wrdreg $0xFFFFFFFF  }
0xad: {  	s28 =	simm.s32 $_size_execute0_lowered;
	s5 =	sadd.s32 s5, s7;
	[dreg:$0x0] =	wrdreg $0x0  }
0xae: {  	s7 =	sshll.u32 s28, $0x1;
	[dreg:$0x2] =	wrdreg s5  }
0xaf: {  	[dreg:$0x3] =	wrdreg s7  }
0xb0: {  	[dreg:$0x4] =	wrdreg $0xC0  }
0xb1: {  	_ =	task [dreg:s9], $0x5FFFF  }
0xb2: {  	[dreg:$0x1] =	wrdreg $0xFFFFFFFF  }
0xb3: {  	[dreg:$0x0] =	wrdreg $0x60  }
0xb4: {  	[dreg:$0x2] =	wrdreg s15  }
0xb5: {  	[dreg:$0x3] =	wrdreg s24  }
0xb6: {  	[dreg:$0x4] =	wrdreg s16  }
0xb7: {  	[dreg:$0x5] =	wrdreg s17  }
0xb8: {  	[dreg:$0x6] =	wrdreg $0x9  }
0xb9: {  	_ =	task.clear_ibuf [dreg:s9], $0x7FFFF;
	_ =	strace $0x90000046  }
0xba: {  	s29 =	simm.s32 $0x9;
	_ =	strace $0x80000048  }
0xbb: {  	_ =	swait.ge [sflag:s29], $0x1  }
0xbc: {  	[sflag:s29] =	ssyncadd.s32 $0xFFFFFFFF  }
0xbd: {  	_ =	strace $0x90000048  }
0xbe: {  	_ =	sfence  }
0xbf: {  	s30 =	sld [smem:$0x0];
	_ =	sdelay $0x2  }
0xc0: {  	s31 =	sshll.u32 s1, $0xD;
	s1 =	sshrl.u32 s1, $0x2  }
0xc1: {  	s3 =	sand.u32 $0x4000, s31;
	s1 =	sadd.s32 s1, s30  }
0xc2: {  	s0 =	sor.u32 s3, s0;
	s1 =	sshll.u32 s1, $0x11  }
0xc3: {  	s0 =	sor.u32 s1, s0  }
0xc4: {  	s0 =	sadd.s32 $0x8F2B, s0  }
0xc5: {  	[sflag:s0] =	ssyncadd.remote.s32 $0x1  }
0xc6: {  	_ =	sfence.sel $0xFFFF  }
0xc7: {  	[dreg:$0x0] =	wrdreg $0xFFFFFFFF;
	(pc) =	sbr.abs _section_cstart, $3  }
0xc8: {  	[dreg:$0x1] =	wrdreg $0xFFFFFFFF  }
0xc9: {  	_ =	task.clear_ibuf [dreg:s9], $0x2FFFF;
	_ =	strace $0x9FFFFFFF  }
0xca: {  	(tm) =	ssettm $0x7FFFFFFF  }
0xcb: {  	_ =	shalt  }
tec
execute0_lowered:
.L_overlay_start_1:
0x0: {  	(tag) =	ssettag $0x1  }
0x1: {  	s4 =	rddreg [dreg:$0x0]  }
0x2: {  	s3 =	rddreg [dreg:$0x1]  }
0x3: {  	s7 =	rddreg [dreg:$0x2]  }
0x4: {  	s8 =	rddreg [dreg:$0x3]  }
0x5: {  	s0 =	rddreg [dreg:$0x4];
	s5 =	srdreg.scid  }
0x6: {  	s2 =	simm.s32 $0x0;
	s1 =	stileid.u32;
	s11 =	simm.s32 $0x100  }
0x7: {  	s12 =	simm.s32 $0x8200;
	s13 =	simm.s32 $0x1;
	s14 =	simm.s32 $0x2  }
0x8: {  	s15 =	simm.s32 $0x0;
	s5 =	sand.u32 $0x1, s5;
	[smem:$0x7FF] =	sst s2  }
0x9: {  	s6 =	sshll.u32 s1, $0xA;
	s3 =	sadd.s32 $0x30F800, s3;
	s9 =	sshll.u32 s5, $0x9  }
0xa: {  	_ =	strace $0x80000047;
	s5 =	ssub.s32 $0x2, s5;
	s6 =	sor.u32 s9, s6  }
0xb: {  	s30 =	sshrl.u32 s5, $0x1;
	s10 =	sshrl.u32 s6, $0x3;
	s31 =	sshll.u32 s6, $0x3  }
0xc: {  	s9 =	ssub.s32 s5, s30;
	s4 =	sadd.s32 s4, s10;
	s5 =	sadd.s32 s7, s31  }
0xd: {  	s6 =	sadd.s32 s8, s31;
	s10 =	sor.u32 $0x800, s31;
	s9 =	smax.u32 s9, $0x1  }
0xe: {  	s7 =	sadd.s32 s7, s10;
	s8 =	sadd.s32 s8, s10;
	s10 =	simm.s32 $0x3  }
.LBB2_1:
0xf: {  	[tilespmem:s2], [sflag:$0x3] =	stream.linear.gather [hbm4b:s4+s2], $0x200, $0x38;
	[tilespmem:$0x10200] =	vst v63  }
0x10: {  	_ =	swait.ge [sflag:s10], $0x200  }
0x11: {  	[sflag:s10] =	ssyncset.done $0x0  }
0x12: {  	s16 =	simm.s32 $0x200;
	[sflag:s10] =	ssyncadd.s32 $0xFFFFFE00  }
0x13: {  	[tilespmem:s16], [sflag:$0x1] =	stream.indirect.gather [hbm4b:s3+s11], $0x80, s2, s11, $0xb8;
	[tilespmem:$0x10200] =	vst v63  }
0x14: {  	_ = 	snop  }
0x15: {  	[tilespmem:s12], [sflag:$0x1] =	stream.indirect.gather [hbm4b:s3+s11], $0x80, s11, s11, $0xb8;
	[tilespmem:$0x10200] =	vst v63  }
0x16: {  	_ =	swait.ge [sflag:s13], $0x8000  }
0x17: {  	s17 =	simm.s32 $0x8;
	[sflag:s13] =	ssyncset.done $0x0  }
0x18: {  	s19 =	sadd.s32 $0x0, s5;
	s18 =	simm.s32 $0x280;
	[sflag:s13] =	ssyncadd.s32 $0xFFFF8000  }
.LBB2_2:
0x19: {  	[hbm4b:s19+s2] =	stream.linear.scatter [tilespmem:s16], [sflag:$0x2], $0x40, $0x38;
	[tilespmem:$0x10200] =	vst v63  }
0x1a: {  	s19 =	smov.u32 s17;
	s16 =	smov.u32 s18;
	p0 =	sne.s32 s17, $0x7F8  }
.Ltmp0:
0x1b: {  	s17 =	sadd.s32 $0x8, s17;
	(pc) =	sbr.rel @p0 .LBB2_2-.Ltmp0, $2  }
0x1c: {  	_ =	sdelay $0x2  }
0x1d: {  	s18 =	sadd.s32 $0x80, s18;
	s19 =	sadd.s32 s19, s5  }
0x1e: {  	[hbm4b:s19+s2] =	stream.linear.scatter [tilespmem:s16], [sflag:$0x2], $0x40, $0x38;
	[tilespmem:$0x10200] =	vst v63  }
0x1f: {  	s16 =	simm.s32 $0x240  }
0x20: {  	s17 =	simm.s32 $0x8;
	s19 =	sadd.s32 $0x0, s6;
	s18 =	simm.s32 $0x2C0  }
.LBB2_4:
0x21: {  	[hbm4b:s19+s2] =	stream.linear.scatter [tilespmem:s16], [sflag:$0x2], $0x40, $0x38;
	[tilespmem:$0x10200] =	vst v63  }
0x22: {  	s19 =	smov.u32 s17;
	s16 =	smov.u32 s18;
	p0 =	sne.s32 s17, $0x7F8  }
.Ltmp1:
0x23: {  	s17 =	sadd.s32 $0x8, s17;
	(pc) =	sbr.rel @p0 .LBB2_4-.Ltmp1, $2  }
0x24: {  	_ =	sdelay $0x2  }
0x25: {  	s18 =	sadd.s32 $0x80, s18;
	s19 =	sadd.s32 s19, s6  }
0x26: {  	[hbm4b:s19+s2] =	stream.linear.scatter [tilespmem:s16], [sflag:$0x2], $0x40, $0x38;
	[tilespmem:$0x10200] =	vst v63  }
0x27: {  	_ =	swait.ge [sflag:s13], $0x8000  }
0x28: {  	s16 =	simm.s32 $0x8200;
	s17 =	simm.s32 $0x8;
	[sflag:s13] =	ssyncset.done $0x0  }
0x29: {  	s19 =	sadd.s32 $0x0, s7;
	s18 =	simm.s32 $0x8280;
	[sflag:s13] =	ssyncadd.s32 $0xFFFF8000  }
.LBB2_6:
0x2a: {  	[hbm4b:s19+s2] =	stream.linear.scatter [tilespmem:s16], [sflag:$0x2], $0x40, $0x38;
	[tilespmem:$0x10200] =	vst v63  }
0x2b: {  	s19 =	smov.u32 s17;
	s16 =	smov.u32 s18;
	p0 =	sne.s32 s17, $0x7F8  }
.Ltmp2:
0x2c: {  	s17 =	sadd.s32 $0x8, s17;
	(pc) =	sbr.rel @p0 .LBB2_6-.Ltmp2, $2  }
0x2d: {  	_ =	sdelay $0x2  }
0x2e: {  	s18 =	sadd.s32 $0x80, s18;
	s19 =	sadd.s32 s19, s7  }
0x2f: {  	[hbm4b:s19+s2] =	stream.linear.scatter [tilespmem:s16], [sflag:$0x2], $0x40, $0x38;
	[tilespmem:$0x10200] =	vst v63  }
0x30: {  	s16 =	simm.s32 $0x8240  }
0x31: {  	s17 =	simm.s32 $0x8;
	s19 =	sadd.s32 $0x0, s8;
	s18 =	simm.s32 $0x82C0  }
.LBB2_8:
0x32: {  	[hbm4b:s19+s2] =	stream.linear.scatter [tilespmem:s16], [sflag:$0x2], $0x40, $0x38;
	[tilespmem:$0x10200] =	vst v63  }
0x33: {  	s19 =	smov.u32 s17;
	s16 =	smov.u32 s18;
	p0 =	sne.s32 s17, $0x7F8  }
.Ltmp3:
0x34: {  	s17 =	sadd.s32 $0x8, s17;
	(pc) =	sbr.rel @p0 .LBB2_8-.Ltmp3, $2  }
0x35: {  	_ =	sdelay $0x2  }
0x36: {  	s18 =	sadd.s32 $0x80, s18;
	s19 =	sadd.s32 s19, s8  }
0x37: {  	[hbm4b:s19+s2] =	stream.linear.scatter [tilespmem:s16], [sflag:$0x2], $0x40, $0x38;
	[tilespmem:$0x10200] =	vst v63  }
0x38: {  	_ =	swait.ge [sflag:s14], $0x4000  }
0x39: {  	[sflag:s14] =	ssyncset.done $0x0  }
0x3a: {  	[sflag:s14] =	ssyncadd.s32 $0xFFFFC000  }
0x3b: {  	_ =	swait.ge [sflag:s14], $0x4000  }
0x3c: {  	[sflag:s14] =	ssyncset.done $0x0  }
0x3d: {  	s15 =	sadd.s32 $0x1, s15;
	[sflag:s14] =	ssyncadd.s32 $0xFFFFC000  }
0x3e: {  	p0 =	sne.s32 s15, s9;
	_ =	swait.ge [sflag:s14], $0x4000  }
.Ltmp4:
0x3f: {  	[sflag:s14] =	ssyncset.done $0x0;
	(pc) =	sbr.rel @p0 .LBB2_1-.Ltmp4, $4  }
0x40: {  	[sflag:s14] =	ssyncadd.s32 $0xFFFFC000  }
0x41: {  	_ =	swait.ge [sflag:s14], $0x4000  }
0x42: {  	[sflag:s14] =	ssyncset.done $0x0  }
0x43: {  	[sflag:s14] =	ssyncadd.s32 $0xFFFFC000  }
0x44: {  	_ =	sfence.sel $0x180000  }
0x45: {  	[bflag:$0x0] =	sbarrier.arrive $0xFFFF  }
0x46: {  	p0 =	sne.s32 s1, $0x0;
	_ =	strace $0x90000047  }
0x47: {  	s0 =	sadd.s32 @!p0 $0x100000, s0;
	[bflag:$0x2] =	sbarrier.arrive $0xFFFF  }
0x48: {  	[sflag:s0] =	ssyncadd.tile.s32 @!p0 $0x1;
	_ =	shalt  }
.Lfunc_end2:
_tile_overlayer_lowered:
.L_overlay_start_2:
0x49: {  	(tag) =	ssettag $0x2  }
0x4a: {  	s0 =	rddreg [dreg:$0x0];
	s2 =	stileid.u32  }
0x4b: {  	s1 =	rddreg [dreg:$0x1];
	p0 =	sne.s32 s2, $0x0  }
0x4c: {  	s3 =	rddreg [dreg:$0x2];
	[bflag:$0x3] =	sbarrier.arrive $0xFFFF;
	s2 =	simm.s32 @!p0 $0x1C03  }
0x4d: {  	[timem:s3], [sflag:s2] =	dma.local @!p0 [hbm:s0], s1  }
0x4e: {  	s0 =	simm.s32 @!p0 $0x3  }
0x4f: {  	_ =	swait.ge @!p0 [sflag:s0], s1  }
0x50: {  	s1 =	ssub.s32 @!p0 $0x0, s1;
	[sflag:s0] =	ssyncset.done @!p0 $0x0  }
0x51: {  	[sflag:s0] =	ssyncadd.s32 @!p0 s1  }
0x52: {  	[bflag:$0x3] =	sbarrier.arrive $0xFFFF  }
0x53: {  	_ =	shalt  }

</sc_bundles>
